<compile_context>
chip_gen: v7x
topology: tpu7x:2x2x1
jax: 0.10.2.dev20260603
libtpu: 0.0.44.dev20260713+nightly
codegen_flags: <defaults>
</compile_context>

<pallas_src>
import jax
import jax.numpy as jnp
import numpy as np
from jax import lax
from jax.experimental import pallas as pl
from jax.experimental.pallas import tpu as pltpu
from jax.experimental.pallas import tpu_sc as plsc

N_NODES = 10000
N_EDGES = 320000
F_IN = 16
F_HID = 32
F_W = 256
ALPHA = 1.0 / np.sqrt(16.0)

NC = 2
NS = 16
NW = NC * NS
EPW = N_EDGES // NW
CH = 2000
NCHUNK = EPW // CH
NPAD = 10240
STRIPE = NPAD // NS

def _mesh():
    return plsc.VectorSubcoreMesh(core_axis_name="c", subcore_axis_name="s",
                                  num_cores=NC, num_subcores=NS)


def _gather_body(nodes_hbm, dst_hbm, x_hbm,
                 idx0, idx1, rows0, rows1,
                 isem0, isem1, gsem, wsem0, wsem1):
    c = lax.axis_index("c")
    s = lax.axis_index("s")
    wid = s * NC + c
    base = wid * EPW
    idx = (idx0, idx1)
    rows = (rows0, rows1)
    isem = (isem0, isem1)
    wsem = (wsem0, wsem1)

    ih = [None] * NCHUNK
    wh = [None] * NCHUNK
    ih[0] = pltpu.async_copy(dst_hbm.at[pl.ds(base, CH)], idx[0], isem[0])
    for j in range(NCHUNK):
        b = j % 2
        if j + 1 < NCHUNK:
            off_n = base + (j + 1) * CH
            ih[j + 1] = pltpu.async_copy(dst_hbm.at[pl.ds(off_n, CH)],
                                         idx[1 - b], isem[1 - b])
        ih[j].wait()
        if j >= 2:
            wh[j - 2].wait()
        pltpu.async_copy(nodes_hbm.at[idx[b]], rows[b], gsem).wait()
        wh[j] = pltpu.async_copy(rows[b], x_hbm.at[pl.ds(base + j * CH, CH)],
                                 wsem[b])
    wh[NCHUNK - 2].wait()
    wh[NCHUNK - 1].wait()


@jax.jit
def _sc_gather(node_attr, edge_dst):
    return pl.kernel(
        _gather_body,
        out_type=jax.ShapeDtypeStruct((N_EDGES, F_IN), jnp.float32),
        mesh=_mesh(),
        compiler_params=pltpu.CompilerParams(use_tc_tiling_on_sc=False),
        scratch_types=[
            pltpu.VMEM((CH,), jnp.int32),
            pltpu.VMEM((CH,), jnp.int32),
            pltpu.VMEM((CH, F_IN), jnp.float32),
            pltpu.VMEM((CH, F_IN), jnp.float32),
            pltpu.SemaphoreType.DMA,
            pltpu.SemaphoreType.DMA,
            pltpu.SemaphoreType.DMA,
            pltpu.SemaphoreType.DMA,
            pltpu.SemaphoreType.DMA,
        ],
    )(node_attr, edge_dst)


def _scatter_body(tp_hbm, src_hbm, psum_hbm, pcnt_hbm,
                  idx0, idx1, rows0, rows1, ones_v, zrow_v, zcnt_v,
                  acc_sh, cnt_sh, isem0, isem1, rsem0, rsem1):
    c = lax.axis_index("c")
    s = lax.axis_index("s")
    wid = s * NC + c
    base = wid * EPW
    idx = (idx0, idx1)
    rows = (rows0, rows1)
    isem = (isem0, isem1)
    rsem = (rsem0, rsem1)

    ih = [None] * NCHUNK
    rh = [None] * NCHUNK
    ih[0] = pltpu.async_copy(src_hbm.at[pl.ds(base, CH)], idx[0], isem[0])
    rh[0] = pltpu.async_copy(tp_hbm.at[pl.ds(base, CH)], rows[0], rsem[0])

    onesv = jnp.ones((16,), jnp.float32)
    zerov = jnp.zeros((16,), jnp.float32)

    def fones(i, carry):
        ones_v[pl.ds(i * 16, 16)] = onesv
        return carry
    lax.fori_loop(0, CH // 16, fones, 0)

    def zrow(i, carry):
        zrow_v[i, :] = zerov
        return carry
    lax.fori_loop(0, STRIPE, zrow, 0)

    def zcnt(i, carry):
        zcnt_v[pl.ds(i * 16, 16)] = zerov
        return carry
    lax.fori_loop(0, STRIPE // 16, zcnt, 0)

    pltpu.sync_copy(zrow_v, acc_sh.at[pl.ds(s * STRIPE, STRIPE)])
    pltpu.sync_copy(zcnt_v, cnt_sh.at[pl.ds(s * STRIPE, STRIPE)])
    plsc.subcore_barrier()

    for j in range(NCHUNK):
        b = j % 2
        if j + 1 < NCHUNK:
            off_n = base + (j + 1) * CH
            ih[j + 1] = pltpu.async_copy(src_hbm.at[pl.ds(off_n, CH)],
                                         idx[1 - b], isem[1 - b])
            rh[j + 1] = pltpu.async_copy(tp_hbm.at[pl.ds(off_n, CH)],
                                         rows[1 - b], rsem[1 - b])
        ih[j].wait()
        rh[j].wait()
        pltpu.sync_copy(rows[b], acc_sh.at[idx[b]], add=True)
        pltpu.sync_copy(ones_v, cnt_sh.at[idx[b]], add=True)

    plsc.subcore_barrier()
    pltpu.sync_copy(acc_sh.at[pl.ds(s * STRIPE, STRIPE)],
                    psum_hbm.at[c, pl.ds(s * STRIPE, STRIPE)])
    pltpu.sync_copy(cnt_sh.at[pl.ds(s * STRIPE, STRIPE)],
                    pcnt_hbm.at[c, pl.ds(s * STRIPE, STRIPE)])


@jax.jit
def _sc_scatter(tp, edge_src):
    return pl.kernel(
        _scatter_body,
        out_type=(
            jax.ShapeDtypeStruct((NC, NPAD, F_IN), jnp.float32),
            jax.ShapeDtypeStruct((NC, NPAD), jnp.float32),
        ),
        mesh=_mesh(),
        compiler_params=pltpu.CompilerParams(use_tc_tiling_on_sc=False),
        scratch_types=[
            pltpu.VMEM((CH,), jnp.int32),
            pltpu.VMEM((CH,), jnp.int32),
            pltpu.VMEM((CH, F_IN), jnp.float32),
            pltpu.VMEM((CH, F_IN), jnp.float32),
            pltpu.VMEM((CH,), jnp.float32),
            pltpu.VMEM((STRIPE, F_IN), jnp.float32),
            pltpu.VMEM((STRIPE,), jnp.float32),
            pltpu.VMEM_SHARED((NPAD, F_IN), jnp.float32),
            pltpu.VMEM_SHARED((NPAD,), jnp.float32),
            pltpu.SemaphoreType.DMA,
            pltpu.SemaphoreType.DMA,
            pltpu.SemaphoreType.DMA,
            pltpu.SemaphoreType.DMA,
        ],
    )(tp, edge_src)


PK = 8
BR = 2000
NROW = N_EDGES // PK
EA_W = PK * F_HID
X_W = PK * F_IN
W_W = PK * F_W


def _edge_body(ea_ref, x_ref, y_ref, W1_ref, b1_ref, W2_ref, b2_ref,
               R_ref, S_ref, K_ref, tp_ref):
    z = jnp.dot(ea_ref[...], W1_ref[...], preferred_element_type=jnp.float32)
    z = z + b1_ref[...][None, :]
    h = jnp.maximum(z, 0.0) + jnp.log1p(jnp.exp(-jnp.abs(z)))
    w = jnp.dot(h, W2_ref[...], preferred_element_type=jnp.float32)
    w = w + b2_ref[...][None, :]
    xr = jnp.dot(x_ref[...], R_ref[...], preferred_element_type=jnp.float32)
    tp = jnp.dot(xr * w, S_ref[...], preferred_element_type=jnp.float32)
    yexp = jnp.dot(y_ref[...], K_ref[...], preferred_element_type=jnp.float32)
    tp_ref[...] = tp * (ALPHA * yexp)


@jax.jit
def _tc_edge(edge_attr, x, edge_sh, W1, b1, W2, b2):
    eye8 = np.eye(PK, dtype=np.float32)
    R = np.kron(np.eye(F_IN, dtype=np.float32), np.ones((1, F_IN), np.float32))
    S = np.kron(np.ones((F_IN, 1), np.float32), np.eye(F_IN, dtype=np.float32))
    R8 = jnp.asarray(np.kron(eye8, R))
    S8 = jnp.asarray(np.kron(eye8, S))
    K8 = jnp.asarray(np.kron(eye8, np.ones((1, F_IN), np.float32)))
    W1bd = jnp.kron(jnp.asarray(eye8), W1)
    W2bd = jnp.kron(jnp.asarray(eye8), W2)
    b1t = jnp.tile(b1, PK)
    b2t = jnp.tile(b2, PK)
    ea8 = edge_attr.reshape(NROW, EA_W)
    x8 = x.reshape(NROW, X_W)
    y8 = edge_sh.reshape(NROW, PK)
    grid = NROW // BR
    tp8 = pl.pallas_call(
        _edge_body,
        grid=(grid,),
        in_specs=[
            pl.BlockSpec((BR, EA_W), lambda i: (i, 0)),
            pl.BlockSpec((BR, X_W), lambda i: (i, 0)),
            pl.BlockSpec((BR, PK), lambda i: (i, 0)),
            pl.BlockSpec((EA_W, EA_W), lambda i: (0, 0)),
            pl.BlockSpec((EA_W,), lambda i: (0,)),
            pl.BlockSpec((EA_W, W_W), lambda i: (0, 0)),
            pl.BlockSpec((W_W,), lambda i: (0,)),
            pl.BlockSpec((X_W, W_W), lambda i: (0, 0)),
            pl.BlockSpec((W_W, X_W), lambda i: (0, 0)),
            pl.BlockSpec((PK, X_W), lambda i: (0, 0)),
        ],
        out_specs=pl.BlockSpec((BR, X_W), lambda i: (i, 0)),
        out_shape=jax.ShapeDtypeStruct((NROW, X_W), jnp.float32),
    )(ea8, x8, y8, W1bd, b1t, W2bd, b2t, R8, S8, K8)
    return tp8.reshape(N_EDGES, F_IN)


def _combine_body(p0_ref, p1_ref, c0_ref, c1_ref, na_ref, out_ref):
    cnt = jnp.maximum(c0_ref[...] + c1_ref[...], 1.0)
    out_ref[...] = (p0_ref[...] + p1_ref[...]) / cnt + na_ref[...]


@jax.jit
def _tc_combine(psum, pcnt, node_attr):
    p0 = psum[0, :N_NODES]
    p1 = psum[1, :N_NODES]
    c0 = pcnt[0, :N_NODES].reshape(N_NODES, 1)
    c1 = pcnt[1, :N_NODES].reshape(N_NODES, 1)
    return pl.pallas_call(
        _combine_body,
        out_shape=jax.ShapeDtypeStruct((N_NODES, F_IN), jnp.float32),
    )(p0, p1, c0, c1, node_attr)


def kernel(node_attr, edge_index, edge_attr, edge_sh, W1, b1, W2, b2):
    edge_src = edge_index[0]
    edge_dst = edge_index[1]
    x = _sc_gather(node_attr, edge_dst)
    tp = _tc_edge(edge_attr, x, edge_sh, W1, b1, W2, b2)
    psum, pcnt = _sc_scatter(tp, edge_src)
    return _tc_combine(psum, pcnt, node_attr)

# --- scband reference (transcript-rebuilt; emitter-appended) ---
"""Pipeline reference for scband-tensor-product-conv-layer-45732811768272 (READ-ONLY COPY).

The authoritative reference and input builder live on the scoring server;
editing this copy changes nothing except your own understanding.
"""

import jax, jax.numpy as jnp
import numpy as np

N_NODES = 10000
N_EDGES = 320000
MUL_IN = 16   # in_irreps = 16x0e
MUL_SH = 1    # sh_irreps = 1x0e
MUL_OUT = 16  # out_irreps = 16x0e
N_EDGE_FEAT = 32
WEIGHT_NUMEL = MUL_IN * MUL_SH * MUL_OUT  # 256


def setup_inputs(seed: int = 0) -> dict:
    key = jax.random.key(seed)
    ks = jax.random.split(key, 8)
    node_attr = jax.random.normal(ks[0], (N_NODES, MUL_IN), dtype=jnp.float32)
    edge_index = jax.random.randint(ks[1], (2, N_EDGES), 0, N_NODES, dtype=jnp.int32)
    edge_attr = jax.random.normal(ks[2], (N_EDGES, N_EDGE_FEAT), dtype=jnp.float32)
    edge_sh = jax.random.normal(ks[3], (N_EDGES, MUL_SH), dtype=jnp.float32)
    # fc = Linear(32,32) -> Softplus -> Linear(32, weight_numel)
    W1 = jax.random.normal(ks[4], (N_EDGE_FEAT, N_EDGE_FEAT), dtype=jnp.float32) / np.sqrt(N_EDGE_FEAT)
    b1 = jnp.zeros((N_EDGE_FEAT,), dtype=jnp.float32)
    W2 = jax.random.normal(ks[5], (N_EDGE_FEAT, WEIGHT_NUMEL), dtype=jnp.float32) / np.sqrt(N_EDGE_FEAT)
    b2 = jnp.zeros((WEIGHT_NUMEL,), dtype=jnp.float32)
    return {"node_attr": node_attr, "edge_index": edge_index, "edge_attr": edge_attr,
            "edge_sh": edge_sh, "W1": W1, "b1": b1, "W2": W2, "b2": b2}


def reference(node_attr, edge_index, edge_attr, edge_sh, W1, b1, W2, b2):
    edge_src = edge_index[0]
    edge_dst = edge_index[1]
    # fc: edge_attr -> per-edge tensor-product weights (shared_weights=False)
    h = jax.nn.softplus(edge_attr @ W1 + b1)
    w = (h @ W2 + b2).reshape(-1, MUL_IN, MUL_SH, MUL_OUT)
    # FullyConnectedTensorProduct(16x0e, 1x0e -> 16x0e): all-scalar paths reduce to
    # a per-edge bilinear form with e3nn path normalization 1/sqrt(mul_in*mul_sh)
    x = node_attr[edge_dst]          # gather: [E, 16]
    y = edge_sh                       # [E, 1]
    alpha = 1.0 / np.sqrt(MUL_IN * MUL_SH)
    tp = jnp.einsum('ei,ej,eijk->ek', x, y, w) * alpha  # [E, 16]
    # scatter mean over source nodes (torch_scatter reduce='mean', dim_size=N)
    out_nodes = node_attr.shape[0]
    summed = jax.ops.segment_sum(tp, edge_src, num_segments=out_nodes)
    counts = jax.ops.segment_sum(jnp.ones((tp.shape[0],), tp.dtype), edge_src, num_segments=out_nodes)
    out = summed / jnp.maximum(counts, 1.0)[:, None]
    # residual with zero right-padding of node_attr up to out width
    pad = out.shape[-1] - node_attr.shape[-1]
    padded = jnp.pad(node_attr, ((0, 0), (0, pad)))
    out = out + padded
    return out

if __name__ == "__main__":
    import jax
    _d = setup_inputs()
    print(jax.jit(kernel)(*tuple(_d.values())))

</pallas_src>

<mosaic_0001>
#map = affine_map<(d0, d1) -> (0, 0)>
#map1 = affine_map<(d0, d1) -> (0)>
module attributes {stable_mosaic.version = 14 : i64} {
  func.func @_gather_body(%arg0: i32, %arg1: i32, %arg2: memref<10000x16xf32, #tpu.memory_space<hbm>>, %arg3: memref<320000xi32, #tpu.memory_space<hbm>>, %arg4: memref<320000x16xf32, #tpu.memory_space<hbm>>, %arg5: memref<2000xi32, #tpu.memory_space<vmem>>, %arg6: memref<2000xi32, #tpu.memory_space<vmem>>, %arg7: memref<2000x16xf32, #tpu.memory_space<vmem>>, %arg8: memref<2000x16xf32, #tpu.memory_space<vmem>>, %arg9: memref<!tpu.dma_semaphore, #tpu.memory_space<semaphore_mem>>, %arg10: memref<!tpu.dma_semaphore, #tpu.memory_space<semaphore_mem>>, %arg11: memref<!tpu.dma_semaphore, #tpu.memory_space<semaphore_mem>>, %arg12: memref<!tpu.dma_semaphore, #tpu.memory_space<semaphore_mem>>, %arg13: memref<!tpu.dma_semaphore, #tpu.memory_space<semaphore_mem>>) attributes {dimension_semantics = [#tpu.dimension_semantics<core_parallel>, #tpu.dimension_semantics<subcore_parallel>], iteration_bounds = array<i64: 2, 16>, scalar_prefetch = 0 : i64, scratch_operands = 9 : i64, tpu.core_type = #tpu.core_type<sc_vector_subcore>, window_params = [{transform_indices = #map}, {transform_indices = #map1}, {transform_indices = #map}]} {
    %mul3A = arith.constant 2 : i32
    %mul3A_0 = arith.muli %arg1, %mul3A : i32
    %add3A = arith.addi %mul3A_0, %arg0 : i32
    %mul3A_1 = arith.constant 10000 : i32
    %mul3A_2 = arith.muli %add3A, %mul3A_1 : i32
    %dma_start3A = tpu.memref_slice %arg3[%mul3A_2] : memref<320000xi32, #tpu.memory_space<hbm>> -> memref<2000xi32, #tpu.memory_space<hbm>>
    %dma_start3A_3 = tpu.memref_slice %arg3[%mul3A_2] : memref<320000xi32, #tpu.memory_space<hbm>> -> memref<2000xi32, #tpu.memory_space<hbm>>
    tpu.enqueue_dma source(%dma_start3A_3 : memref<2000xi32, #tpu.memory_space<hbm>>) target(%arg5 : memref<2000xi32, #tpu.memory_space<vmem>>) target_semaphore(%arg9 : memref<!tpu.dma_semaphore, #tpu.memory_space<semaphore_mem>>)
    %add3A_4 = arith.constant 2000 : i32
    %add3A_5 = arith.addi %mul3A_2, %add3A_4 : i32
    %dma_start3A_6 = tpu.memref_slice %arg3[%add3A_5] : memref<320000xi32, #tpu.memory_space<hbm>> -> memref<2000xi32, #tpu.memory_space<hbm>>
    %dma_start3A_7 = tpu.memref_slice %arg3[%add3A_5] : memref<320000xi32, #tpu.memory_space<hbm>> -> memref<2000xi32, #tpu.memory_space<hbm>>
    tpu.enqueue_dma source(%dma_start3A_7 : memref<2000xi32, #tpu.memory_space<hbm>>) target(%arg6 : memref<2000xi32, #tpu.memory_space<vmem>>) target_semaphore(%arg10 : memref<!tpu.dma_semaphore, #tpu.memory_space<semaphore_mem>>)
    %dma_wait3A = tpu.memref_slice %arg3[%mul3A_2] : memref<320000xi32, #tpu.memory_space<hbm>> -> memref<2000xi32, #tpu.memory_space<hbm>>
    %dma_wait3A_8 = tpu.memref_slice %arg3[%mul3A_2] : memref<320000xi32, #tpu.memory_space<hbm>> -> memref<2000xi32, #tpu.memory_space<hbm>>
    tpu.wait_dma2 semaphore(%arg9 : memref<!tpu.dma_semaphore, #tpu.memory_space<semaphore_mem>>) src(%dma_wait3A_8 : memref<2000xi32, #tpu.memory_space<hbm>>) dst(%arg5 : memref<2000xi32, #tpu.memory_space<vmem>>)
    %dma_start3A_9 = arith.constant 0 : i32
    %dma_start3A_10 = arith.constant 0 : i32
    %dma_start3A_11 = tpu.memref_slice %arg2[%dma_start3A_9, %dma_start3A_10] : memref<10000x16xf32, #tpu.memory_space<hbm>> -> memref<10000x16xf32, #tpu.memory_space<hbm>>
    tpu.enqueue_indirect_dma source(%dma_start3A_11 : memref<10000x16xf32, #tpu.memory_space<hbm>>) target(%arg7 : memref<2000x16xf32, #tpu.memory_space<vmem>>) offsets(%arg5 : memref<2000xi32, #tpu.memory_space<vmem>>) semaphore(%arg11 : memref<!tpu.dma_semaphore, #tpu.memory_space<semaphore_mem>>)
    %dma_wait3A_12 = arith.constant 0 : i32
    %dma_wait3A_13 = arith.constant 0 : i32
    %dma_wait3A_14 = tpu.memref_slice %arg2[%dma_wait3A_12, %dma_wait3A_13] : memref<10000x16xf32, #tpu.memory_space<hbm>> -> memref<10000x16xf32, #tpu.memory_space<hbm>>
    tpu.wait_indirect_dma semaphore(%arg11 : memref<!tpu.dma_semaphore, #tpu.memory_space<semaphore_mem>>) src(%dma_wait3A_14 : memref<10000x16xf32, #tpu.memory_space<hbm>>) dst(%arg7 : memref<2000x16xf32, #tpu.memory_space<vmem>>)
    %add3A_15 = arith.constant 0 : i32
    %add3A_16 = arith.addi %mul3A_2, %add3A_15 : i32
    %dma_start3A_17 = arith.constant 0 : i32
    %dma_start3A_18 = tpu.memref_slice %arg4[%add3A_16, %dma_start3A_17] : memref<320000x16xf32, #tpu.memory_space<hbm>> -> memref<2000x16xf32, #tpu.memory_space<hbm>>
    %dma_start3A_19 = arith.constant 0 : i32
    %dma_start3A_20 = tpu.memref_slice %arg4[%add3A_16, %dma_start3A_19] : memref<320000x16xf32, #tpu.memory_space<hbm>> -> memref<2000x16xf32, #tpu.memory_space<hbm>>
    tpu.enqueue_dma source(%arg7 : memref<2000x16xf32, #tpu.memory_space<vmem>>) target(%dma_start3A_20 : memref<2000x16xf32, #tpu.memory_space<hbm>>) target_semaphore(%arg12 : memref<!tpu.dma_semaphore, #tpu.memory_space<semaphore_mem>>)
    %add3A_21 = arith.constant 4000 : i32
    %add3A_22 = arith.addi %mul3A_2, %add3A_21 : i32
    %dma_start3A_23 = tpu.memref_slice %arg3[%add3A_22] : memref<320000xi32, #tpu.memory_space<hbm>> -> memref<2000xi32, #tpu.memory_space<hbm>>
    %dma_start3A_24 = tpu.memref_slice %arg3[%add3A_22] : memref<320000xi32, #tpu.memory_space<hbm>> -> memref<2000xi32, #tpu.memory_space<hbm>>
    tpu.enqueue_dma source(%dma_start3A_24 : memref<2000xi32, #tpu.memory_space<hbm>>) target(%arg5 : memref<2000xi32, #tpu.memory_space<vmem>>) target_semaphore(%arg9 : memref<!tpu.dma_semaphore, #tpu.memory_space<semaphore_mem>>)
    %dma_wait3A_25 = tpu.memref_slice %arg3[%add3A_5] : memref<320000xi32, #tpu.memory_space<hbm>> -> memref<2000xi32, #tpu.memory_space<hbm>>
    %dma_wait3A_26 = tpu.memref_slice %arg3[%add3A_5] : memref<320000xi32, #tpu.memory_space<hbm>> -> memref<2000xi32, #tpu.memory_space<hbm>>
    tpu.wait_dma2 semaphore(%arg10 : memref<!tpu.dma_semaphore, #tpu.memory_space<semaphore_mem>>) src(%dma_wait3A_26 : memref<2000xi32, #tpu.memory_space<hbm>>) dst(%arg6 : memref<2000xi32, #tpu.memory_space<vmem>>)
    %dma_start3A_27 = arith.constant 0 : i32
    %dma_start3A_28 = arith.constant 0 : i32
    %dma_start3A_29 = tpu.memref_slice %arg2[%dma_start3A_27, %dma_start3A_28] : memref<10000x16xf32, #tpu.memory_space<hbm>> -> memref<10000x16xf32, #tpu.memory_space<hbm>>
    tpu.enqueue_indirect_dma source(%dma_start3A_29 : memref<10000x16xf32, #tpu.memory_space<hbm>>) target(%arg8 : memref<2000x16xf32, #tpu.memory_space<vmem>>) offsets(%arg6 : memref<2000xi32, #tpu.memory_space<vmem>>) semaphore(%arg11 : memref<!tpu.dma_semaphore, #tpu.memory_space<semaphore_mem>>)
    %dma_wait3A_30 = arith.constant 0 : i32
    %dma_wait3A_31 = arith.constant 0 : i32
    %dma_wait3A_32 = tpu.memref_slice %arg2[%dma_wait3A_30, %dma_wait3A_31] : memref<10000x16xf32, #tpu.memory_space<hbm>> -> memref<10000x16xf32, #tpu.memory_space<hbm>>
    tpu.wait_indirect_dma semaphore(%arg11 : memref<!tpu.dma_semaphore, #tpu.memory_space<semaphore_mem>>) src(%dma_wait3A_32 : memref<10000x16xf32, #tpu.memory_space<hbm>>) dst(%arg8 : memref<2000x16xf32, #tpu.memory_space<vmem>>)
    %add3A_33 = arith.constant 2000 : i32
    %add3A_34 = arith.addi %mul3A_2, %add3A_33 : i32
    %dma_start3A_35 = arith.constant 0 : i32
    %dma_start3A_36 = tpu.memref_slice %arg4[%add3A_34, %dma_start3A_35] : memref<320000x16xf32, #tpu.memory_space<hbm>> -> memref<2000x16xf32, #tpu.memory_space<hbm>>
    %dma_start3A_37 = arith.constant 0 : i32
    %dma_start3A_38 = tpu.memref_slice %arg4[%add3A_34, %dma_start3A_37] : memref<320000x16xf32, #tpu.memory_space<hbm>> -> memref<2000x16xf32, #tpu.memory_space<hbm>>
    tpu.enqueue_dma source(%arg8 : memref<2000x16xf32, #tpu.memory_space<vmem>>) target(%dma_start3A_38 : memref<2000x16xf32, #tpu.memory_space<hbm>>) target_semaphore(%arg13 : memref<!tpu.dma_semaphore, #tpu.memory_space<semaphore_mem>>)
    %add3A_39 = arith.constant 6000 : i32
    %add3A_40 = arith.addi %mul3A_2, %add3A_39 : i32
    %dma_start3A_41 = tpu.memref_slice %arg3[%add3A_40] : memref<320000xi32, #tpu.memory_space<hbm>> -> memref<2000xi32, #tpu.memory_space<hbm>>
    %dma_start3A_42 = tpu.memref_slice %arg3[%add3A_40] : memref<320000xi32, #tpu.memory_space<hbm>> -> memref<2000xi32, #tpu.memory_space<hbm>>
    tpu.enqueue_dma source(%dma_start3A_42 : memref<2000xi32, #tpu.memory_space<hbm>>) target(%arg6 : memref<2000xi32, #tpu.memory_space<vmem>>) target_semaphore(%arg10 : memref<!tpu.dma_semaphore, #tpu.memory_space<semaphore_mem>>)
    %dma_wait3A_43 = tpu.memref_slice %arg3[%add3A_22] : memref<320000xi32, #tpu.memory_space<hbm>> -> memref<2000xi32, #tpu.memory_space<hbm>>
    %dma_wait3A_44 = tpu.memref_slice %arg3[%add3A_22] : memref<320000xi32, #tpu.memory_space<hbm>> -> memref<2000xi32, #tpu.memory_space<hbm>>
    tpu.wait_dma2 semaphore(%arg9 : memref<!tpu.dma_semaphore, #tpu.memory_space<semaphore_mem>>) src(%dma_wait3A_44 : memref<2000xi32, #tpu.memory_space<hbm>>) dst(%arg5 : memref<2000xi32, #tpu.memory_space<vmem>>)
    %dma_wait3A_45 = arith.constant 0 : i32
    %dma_wait3A_46 = tpu.memref_slice %arg4[%add3A_16, %dma_wait3A_45] : memref<320000x16xf32, #tpu.memory_space<hbm>> -> memref<2000x16xf32, #tpu.memory_space<hbm>>
    %dma_wait3A_47 = arith.constant 0 : i32
    %dma_wait3A_48 = tpu.memref_slice %arg4[%add3A_16, %dma_wait3A_47] : memref<320000x16xf32, #tpu.memory_space<hbm>> -> memref<2000x16xf32, #tpu.memory_space<hbm>>
    tpu.wait_dma2 semaphore(%arg12 : memref<!tpu.dma_semaphore, #tpu.memory_space<semaphore_mem>>) src(%arg7 : memref<2000x16xf32, #tpu.memory_space<vmem>>) dst(%dma_wait3A_48 : memref<2000x16xf32, #tpu.memory_space<hbm>>)
    %dma_start3A_49 = arith.constant 0 : i32
    %dma_start3A_50 = arith.constant 0 : i32
    %dma_start3A_51 = tpu.memref_slice %arg2[%dma_start3A_49, %dma_start3A_50] : memref<10000x16xf32, #tpu.memory_space<hbm>> -> memref<10000x16xf32, #tpu.memory_space<hbm>>
    tpu.enqueue_indirect_dma source(%dma_start3A_51 : memref<10000x16xf32, #tpu.memory_space<hbm>>) target(%arg7 : memref<2000x16xf32, #tpu.memory_space<vmem>>) offsets(%arg5 : memref<2000xi32, #tpu.memory_space<vmem>>) semaphore(%arg11 : memref<!tpu.dma_semaphore, #tpu.memory_space<semaphore_mem>>)
    %dma_wait3A_52 = arith.constant 0 : i32
    %dma_wait3A_53 = arith.constant 0 : i32
    %dma_wait3A_54 = tpu.memref_slice %arg2[%dma_wait3A_52, %dma_wait3A_53] : memref<10000x16xf32, #tpu.memory_space<hbm>> -> memref<10000x16xf32, #tpu.memory_space<hbm>>
    tpu.wait_indirect_dma semaphore(%arg11 : memref<!tpu.dma_semaphore, #tpu.memory_space<semaphore_mem>>) src(%dma_wait3A_54 : memref<10000x16xf32, #tpu.memory_space<hbm>>) dst(%arg7 : memref<2000x16xf32, #tpu.memory_space<vmem>>)
    %add3A_55 = arith.constant 4000 : i32
    %add3A_56 = arith.addi %mul3A_2, %add3A_55 : i32
    %dma_start3A_57 = arith.constant 0 : i32
    %dma_start3A_58 = tpu.memref_slice %arg4[%add3A_56, %dma_start3A_57] : memref<320000x16xf32, #tpu.memory_space<hbm>> -> memref<2000x16xf32, #tpu.memory_space<hbm>>
    %dma_start3A_59 = arith.constant 0 : i32
    %dma_start3A_60 = tpu.memref_slice %arg4[%add3A_56, %dma_start3A_59] : memref<320000x16xf32, #tpu.memory_space<hbm>> -> memref<2000x16xf32, #tpu.memory_space<hbm>>
    tpu.enqueue_dma source(%arg7 : memref<2000x16xf32, #tpu.memory_space<vmem>>) target(%dma_start3A_60 : memref<2000x16xf32, #tpu.memory_space<hbm>>) target_semaphore(%arg12 : memref<!tpu.dma_semaphore, #tpu.memory_space<semaphore_mem>>)
    %add3A_61 = arith.constant 8000 : i32
    %add3A_62 = arith.addi %mul3A_2, %add3A_61 : i32
    %dma_start3A_63 = tpu.memref_slice %arg3[%add3A_62] : memref<320000xi32, #tpu.memory_space<hbm>> -> memref<2000xi32, #tpu.memory_space<hbm>>
    %dma_start3A_64 = tpu.memref_slice %arg3[%add3A_62] : memref<320000xi32, #tpu.memory_space<hbm>> -> memref<2000xi32, #tpu.memory_space<hbm>>
    tpu.enqueue_dma source(%dma_start3A_64 : memref<2000xi32, #tpu.memory_space<hbm>>) target(%arg5 : memref<2000xi32, #tpu.memory_space<vmem>>) target_semaphore(%arg9 : memref<!tpu.dma_semaphore, #tpu.memory_space<semaphore_mem>>)
    %dma_wait3A_65 = tpu.memref_slice %arg3[%add3A_40] : memref<320000xi32, #tpu.memory_space<hbm>> -> memref<2000xi32, #tpu.memory_space<hbm>>
    %dma_wait3A_66 = tpu.memref_slice %arg3[%add3A_40] : memref<320000xi32, #tpu.memory_space<hbm>> -> memref<2000xi32, #tpu.memory_space<hbm>>
    tpu.wait_dma2 semaphore(%arg10 : memref<!tpu.dma_semaphore, #tpu.memory_space<semaphore_mem>>) src(%dma_wait3A_66 : memref<2000xi32, #tpu.memory_space<hbm>>) dst(%arg6 : memref<2000xi32, #tpu.memory_space<vmem>>)
    %dma_wait3A_67 = arith.constant 0 : i32
    %dma_wait3A_68 = tpu.memref_slice %arg4[%add3A_34, %dma_wait3A_67] : memref<320000x16xf32, #tpu.memory_space<hbm>> -> memref<2000x16xf32, #tpu.memory_space<hbm>>
    %dma_wait3A_69 = arith.constant 0 : i32
    %dma_wait3A_70 = tpu.memref_slice %arg4[%add3A_34, %dma_wait3A_69] : memref<320000x16xf32, #tpu.memory_space<hbm>> -> memref<2000x16xf32, #tpu.memory_space<hbm>>
    tpu.wait_dma2 semaphore(%arg13 : memref<!tpu.dma_semaphore, #tpu.memory_space<semaphore_mem>>) src(%arg8 : memref<2000x16xf32, #tpu.memory_space<vmem>>) dst(%dma_wait3A_70 : memref<2000x16xf32, #tpu.memory_space<hbm>>)
    %dma_start3A_71 = arith.constant 0 : i32
    %dma_start3A_72 = arith.constant 0 : i32
    %dma_start3A_73 = tpu.memref_slice %arg2[%dma_start3A_71, %dma_start3A_72] : memref<10000x16xf32, #tpu.memory_space<hbm>> -> memref<10000x16xf32, #tpu.memory_space<hbm>>
    tpu.enqueue_indirect_dma source(%dma_start3A_73 : memref<10000x16xf32, #tpu.memory_space<hbm>>) target(%arg8 : memref<2000x16xf32, #tpu.memory_space<vmem>>) offsets(%arg6 : memref<2000xi32, #tpu.memory_space<vmem>>) semaphore(%arg11 : memref<!tpu.dma_semaphore, #tpu.memory_space<semaphore_mem>>)
    %dma_wait3A_74 = arith.constant 0 : i32
    %dma_wait3A_75 = arith.constant 0 : i32
    %dma_wait3A_76 = tpu.memref_slice %arg2[%dma_wait3A_74, %dma_wait3A_75] : memref<10000x16xf32, #tpu.memory_space<hbm>> -> memref<10000x16xf32, #tpu.memory_space<hbm>>
    tpu.wait_indirect_dma semaphore(%arg11 : memref<!tpu.dma_semaphore, #tpu.memory_space<semaphore_mem>>) src(%dma_wait3A_76 : memref<10000x16xf32, #tpu.memory_space<hbm>>) dst(%arg8 : memref<2000x16xf32, #tpu.memory_space<vmem>>)
    %add3A_77 = arith.constant 6000 : i32
    %add3A_78 = arith.addi %mul3A_2, %add3A_77 : i32
    %dma_start3A_79 = arith.constant 0 : i32
    %dma_start3A_80 = tpu.memref_slice %arg4[%add3A_78, %dma_start3A_79] : memref<320000x16xf32, #tpu.memory_space<hbm>> -> memref<2000x16xf32, #tpu.memory_space<hbm>>
    %dma_start3A_81 = arith.constant 0 : i32
    %dma_start3A_82 = tpu.memref_slice %arg4[%add3A_78, %dma_start3A_81] : memref<320000x16xf32, #tpu.memory_space<hbm>> -> memref<2000x16xf32, #tpu.memory_space<hbm>>
    tpu.enqueue_dma source(%arg8 : memref<2000x16xf32, #tpu.memory_space<vmem>>) target(%dma_start3A_82 : memref<2000x16xf32, #tpu.memory_space<hbm>>) target_semaphore(%arg13 : memref<!tpu.dma_semaphore, #tpu.memory_space<semaphore_mem>>)
    %dma_wait3A_83 = tpu.memref_slice %arg3[%add3A_62] : memref<320000xi32, #tpu.memory_space<hbm>> -> memref<2000xi32, #tpu.memory_space<hbm>>
    %dma_wait3A_84 = tpu.memref_slice %arg3[%add3A_62] : memref<320000xi32, #tpu.memory_space<hbm>> -> memref<2000xi32, #tpu.memory_space<hbm>>
    tpu.wait_dma2 semaphore(%arg9 : memref<!tpu.dma_semaphore, #tpu.memory_space<semaphore_mem>>) src(%dma_wait3A_84 : memref<2000xi32, #tpu.memory_space<hbm>>) dst(%arg5 : memref<2000xi32, #tpu.memory_space<vmem>>)
    %dma_wait3A_85 = arith.constant 0 : i32
    %dma_wait3A_86 = tpu.memref_slice %arg4[%add3A_56, %dma_wait3A_85] : memref<320000x16xf32, #tpu.memory_space<hbm>> -> memref<2000x16xf32, #tpu.memory_space<hbm>>
    %dma_wait3A_87 = arith.constant 0 : i32
    %dma_wait3A_88 = tpu.memref_slice %arg4[%add3A_56, %dma_wait3A_87] : memref<320000x16xf32, #tpu.memory_space<hbm>> -> memref<2000x16xf32, #tpu.memory_space<hbm>>
    tpu.wait_dma2 semaphore(%arg12 : memref<!tpu.dma_semaphore, #tpu.memory_space<semaphore_mem>>) src(%arg7 : memref<2000x16xf32, #tpu.memory_space<vmem>>) dst(%dma_wait3A_88 : memref<2000x16xf32, #tpu.memory_space<hbm>>)
    %dma_start3A_89 = arith.constant 0 : i32
    %dma_start3A_90 = arith.constant 0 : i32
    %dma_start3A_91 = tpu.memref_slice %arg2[%dma_start3A_89, %dma_start3A_90] : memref<10000x16xf32, #tpu.memory_space<hbm>> -> memref<10000x16xf32, #tpu.memory_space<hbm>>
    tpu.enqueue_indirect_dma source(%dma_start3A_91 : memref<10000x16xf32, #tpu.memory_space<hbm>>) target(%arg7 : memref<2000x16xf32, #tpu.memory_space<vmem>>) offsets(%arg5 : memref<2000xi32, #tpu.memory_space<vmem>>) semaphore(%arg11 : memref<!tpu.dma_semaphore, #tpu.memory_space<semaphore_mem>>)
    %dma_wait3A_92 = arith.constant 0 : i32
    %dma_wait3A_93 = arith.constant 0 : i32
    %dma_wait3A_94 = tpu.memref_slice %arg2[%dma_wait3A_92, %dma_wait3A_93] : memref<10000x16xf32, #tpu.memory_space<hbm>> -> memref<10000x16xf32, #tpu.memory_space<hbm>>
    tpu.wait_indirect_dma semaphore(%arg11 : memref<!tpu.dma_semaphore, #tpu.memory_space<semaphore_mem>>) src(%dma_wait3A_94 : memref<10000x16xf32, #tpu.memory_space<hbm>>) dst(%arg7 : memref<2000x16xf32, #tpu.memory_space<vmem>>)
    %add3A_95 = arith.constant 8000 : i32
    %add3A_96 = arith.addi %mul3A_2, %add3A_95 : i32
    %dma_start3A_97 = arith.constant 0 : i32
    %dma_start3A_98 = tpu.memref_slice %arg4[%add3A_96, %dma_start3A_97] : memref<320000x16xf32, #tpu.memory_space<hbm>> -> memref<2000x16xf32, #tpu.memory_space<hbm>>
    %dma_start3A_99 = arith.constant 0 : i32
    %dma_start3A_100 = tpu.memref_slice %arg4[%add3A_96, %dma_start3A_99] : memref<320000x16xf32, #tpu.memory_space<hbm>> -> memref<2000x16xf32, #tpu.memory_space<hbm>>
    tpu.enqueue_dma source(%arg7 : memref<2000x16xf32, #tpu.memory_space<vmem>>) target(%dma_start3A_100 : memref<2000x16xf32, #tpu.memory_space<hbm>>) target_semaphore(%arg12 : memref<!tpu.dma_semaphore, #tpu.memory_space<semaphore_mem>>)
    %dma_wait3A_101 = arith.constant 0 : i32
    %dma_wait3A_102 = tpu.memref_slice %arg4[%add3A_78, %dma_wait3A_101] : memref<320000x16xf32, #tpu.memory_space<hbm>> -> memref<2000x16xf32, #tpu.memory_space<hbm>>
    %dma_wait3A_103 = arith.constant 0 : i32
    %dma_wait3A_104 = tpu.memref_slice %arg4[%add3A_78, %dma_wait3A_103] : memref<320000x16xf32, #tpu.memory_space<hbm>> -> memref<2000x16xf32, #tpu.memory_space<hbm>>
    tpu.wait_dma2 semaphore(%arg13 : memref<!tpu.dma_semaphore, #tpu.memory_space<semaphore_mem>>) src(%arg8 : memref<2000x16xf32, #tpu.memory_space<vmem>>) dst(%dma_wait3A_104 : memref<2000x16xf32, #tpu.memory_space<hbm>>)
    %dma_wait3A_105 = arith.constant 0 : i32
    %dma_wait3A_106 = tpu.memref_slice %arg4[%add3A_96, %dma_wait3A_105] : memref<320000x16xf32, #tpu.memory_space<hbm>> -> memref<2000x16xf32, #tpu.memory_space<hbm>>
    %dma_wait3A_107 = arith.constant 0 : i32
    %dma_wait3A_108 = tpu.memref_slice %arg4[%add3A_96, %dma_wait3A_107] : memref<320000x16xf32, #tpu.memory_space<hbm>> -> memref<2000x16xf32, #tpu.memory_space<hbm>>
    tpu.wait_dma2 semaphore(%arg12 : memref<!tpu.dma_semaphore, #tpu.memory_space<semaphore_mem>>) src(%arg7 : memref<2000x16xf32, #tpu.memory_space<vmem>>) dst(%dma_wait3A_108 : memref<2000x16xf32, #tpu.memory_space<hbm>>)
    return
  }
}

</mosaic_0001>

<sc_bundles>
// kernel: _sc_gather.3.cloned.1.call-start
scs
__scs_entry_jumppad:
0x0: {  	(pc) =	sbr.rel $0x88, $3  }
0x1: {  	(tag) =	ssettag $0x0;
	lr =	simm.s32 $0x1  }
0x2: {  	[smem:$0x3F9F] =	sst lr;
	_ =	strace $0xD0000000  }
0x3: {  	_ = 	snop  }
0x4: {  	_ = 	snop  }
0x5: {  	_ = 	snop  }
0x6: {  	_ = 	snop  }
0x7: {  	_ = 	snop  }
__scs_overlays_trampoline_lowered:
0x8: {  	[smem:$0x3FAE] =	sst s0  }
0x9: {  	[smem:$0x3FAF] =	sst s1  }
0xa: {  	[smem:$0x3FB0] =	sst s2  }
0xb: {  	[smem:$0x3FB1] =	sst s3  }
0xc: {  	[smem:$0x3FB2] =	sst s4  }
0xd: {  	[smem:$0x3FB3] =	sst s5  }
0xe: {  	[smem:$0x3FB4] =	sst s6  }
0xf: {  	[smem:$0x3FB5] =	sst s7  }
0x10: {  	[smem:$0x3FB6] =	sst s8  }
0x11: {  	[smem:$0x3FB7] =	sst s9;
	s0 =	simm.s32 @!p0 $0x0  }
0x12: {  	s1 =	sld [smem:$0x3F9D];
	s0 =	simm.s32 @p0 $0x1  }
0x13: {  	[smem:$0x3FB8] =	sst s0;
	s0 =	simm.s32 @!p1 $0x0  }
0x14: {  	s2 =	sld [smem:$0x3F9C];
	s0 =	simm.s32 @p1 $0x1  }
0x15: {  	[smem:$0x3FB9] =	sst s0;
	s0 =	simm.s32 @!p2 $0x0  }
0x16: {  	s3 =	sld [smem:$0x3FDB];
	s0 =	simm.s32 @p2 $0x1  }
0x17: {  	s4 =	simm.s32 $0x1BF5;
	[smem:$0x3FBB] =	sst s0  }
0x18: {  	s0 =	sld [smem:$0x3F9E];
	_ =	swait.ge [sflag:s4], $0x0  }
0x19: {  	s7 =	sld [smem:$0x3F9F]  }
0x1a: {  	s8 =	sadd.s32 $0xFFFFE003, lr  }
0x1b: {  	s9 =	sadd.s32 $0xFFFFFEF7, lr;
	s5 =	simm.s32 $0xFFFFFFFF;
	p2 =	slt.u32 s8, $0xFFFFF086  }
0x1c: {  	p1 =	slt.u32 s9, $0xF7A;
	s5 =	simm.s32 @!p2 $0x0  }
0x1d: {  	s5 =	simm.s32 @p1 $0x1;
	p0 =	seq.s32 s7, s2  }
0x1e: {  	s7 =	smul.u32 @!p0 $0xF7A, s2;
	p2 =	seq.s32 @!p0 s5, $0x0  }
0x1f: {  	s9 =	smul.u32 $0xF7A, s1;
	s8 =	simm.s32 @!p0 $0x1BF5;
	p2 =	por !p2, p0  }
0x20: {  	[sflag:s8] =	ssyncset.s32 @!p0 $0xFFFFF086;
	s6 =	sadd.s32 @!p0 s3, s7;
	s7 =	simm.s32 @!p0 $0x108  }
0x21: {  	s3 =	sadd.s32 s3, s9;
	s6 =	sadd.s32 @!p0 $0x88, s6;
	s7 =	simm.s32 @p2 $0x1082  }
0x22: {  	[simem:s7], [sflag:s8] =	dma.local @!p0 [hbm:s6], $0xF7A  }
0x23: {  	s9 =	sor.u32 $0xD0000000, s2;
	s6 =	simm.s32 $0x108;
	_ =	swait.ge @!p0 [sflag:s8], $0x0  }
0x24: {  	s3 =	sadd.s32 $0x88, s3;
	s6 =	simm.s32 @!p1 $0x1082;
	[sflag:s4] =	ssyncset.s32 $0xFFFFF086  }
0x25: {  	[simem:s6], [sflag:s4] =	dma.local [hbm:s3], $0xF7A  }
0x26: {  	[smem:$0x3F9F] =	sst s1;
	(tag) =	ssettag s2;
	_ =	strace s9  }
0x27: {  	s1 =	sld [smem:$0x3FAF]  }
0x28: {  	s2 =	sld [smem:$0x3FB0]  }
0x29: {  	s4 =	sld [smem:$0x3FB2]  }
0x2a: {  	p0 =	seq.s32 s5, $0x0;
	s5 =	sld [smem:$0x3FB3]  }
0x2b: {  	s6 =	sld [smem:$0x3FB4]  }
0x2c: {  	s7 =	sld [smem:$0x3FB5]  }
0x2d: {  	s3 =	simm.s32 $0x108;
	s8 =	sld [smem:$0x3FB6]  }
0x2e: {  	s3 =	simm.s32 @!p0 $0x1082;
	s9 =	sld [smem:$0x3FB7]  }
0x2f: {  	lr =	sadd.s32 s0, s3;
	s0 =	sld [smem:$0x3FAE]  }
0x30: {  	s3 =	sld [smem:$0x3FB1]  }
0x31: {  	[smem:$0x3FBA] =	sst s10  }
0x32: {  	s10 =	sld [smem:$0x3FB8];
	_ =	sdelay $0x3  }
0x33: {  	p0 =	seq.s32 s10, $0x1;
	s10 =	sld [smem:$0x3FBA];
	_ =	sdelay $0x3  }
0x34: {  	[smem:$0x3FBA] =	sst s10  }
0x35: {  	s10 =	sld [smem:$0x3FB9];
	_ =	sdelay $0x3  }
0x36: {  	p1 =	seq.s32 s10, $0x1;
	s10 =	sld [smem:$0x3FBA];
	_ =	sdelay $0x3  }
0x37: {  	[smem:$0x3FBA] =	sst s10  }
0x38: {  	s10 =	sld [smem:$0x3FBB]  }
0x39: {  	_ = 	snop;
	(pc) =	sbr.ind lr, $3  }
0x3a: {  	_ = 	snop  }
0x3b: {  	_ = 	snop  }
0x3c: {  	p2 =	seq.s32 s10, $0x1;
	s10 =	sld [smem:$0x3FBA]  }
0x3d: {  	_ =	shalt  }
0x3e: {  	_ =	shalt  }
0x3f: {  	_ =	shalt  }
0x40: {  	_ =	shalt  }
0x41: {  	_ =	shalt  }
0x42: {  	_ =	shalt  }
0x43: {  	_ =	shalt  }
0x44: {  	_ =	shalt  }
0x45: {  	_ =	shalt  }
0x46: {  	_ =	shalt  }
0x47: {  	_ =	shalt  }
0x48: {  	_ =	shalt  }
0x49: {  	_ =	shalt  }
0x4a: {  	_ =	shalt  }
0x4b: {  	_ =	shalt  }
0x4c: {  	_ =	shalt  }
0x4d: {  	_ =	shalt  }
0x4e: {  	_ =	shalt  }
0x4f: {  	_ =	shalt  }
0x50: {  	_ =	shalt  }
0x51: {  	_ =	shalt  }
0x52: {  	_ =	shalt  }
0x53: {  	_ =	shalt  }
0x54: {  	_ =	shalt  }
0x55: {  	_ =	shalt  }
0x56: {  	_ =	shalt  }
0x57: {  	_ =	shalt  }
0x58: {  	_ =	shalt  }
0x59: {  	_ =	shalt  }
0x5a: {  	_ =	shalt  }
0x5b: {  	_ =	shalt  }
0x5c: {  	_ =	shalt  }
0x5d: {  	_ =	shalt  }
0x5e: {  	_ =	shalt  }
0x5f: {  	_ =	shalt  }
0x60: {  	_ =	shalt  }
0x61: {  	_ =	shalt  }
0x62: {  	_ =	shalt  }
0x63: {  	_ =	shalt  }
0x64: {  	_ =	shalt  }
0x65: {  	_ =	shalt  }
0x66: {  	_ =	shalt  }
0x67: {  	_ =	shalt  }
0x68: {  	_ =	shalt  }
0x69: {  	_ =	shalt  }
0x6a: {  	_ =	shalt  }
0x6b: {  	_ =	shalt  }
0x6c: {  	_ =	shalt  }
0x6d: {  	_ =	shalt  }
0x6e: {  	_ =	shalt  }
0x6f: {  	_ =	shalt  }
0x70: {  	_ =	shalt  }
0x71: {  	_ =	shalt  }
0x72: {  	_ =	shalt  }
0x73: {  	_ =	shalt  }
0x74: {  	_ =	shalt  }
0x75: {  	_ =	shalt  }
0x76: {  	_ =	shalt  }
0x77: {  	_ =	shalt  }
0x78: {  	_ =	shalt  }
0x79: {  	_ =	shalt  }
0x7a: {  	_ =	shalt  }
0x7b: {  	_ =	shalt  }
0x7c: {  	_ =	shalt  }
0x7d: {  	_ =	shalt  }
0x7e: {  	_ =	shalt  }
0x7f: {  	_ =	shalt  }
0x80: {  	_ =	shalt  }
0x81: {  	_ =	shalt  }
0x82: {  	_ =	shalt  }
0x83: {  	_ =	shalt  }
0x84: {  	_ =	shalt  }
0x85: {  	_ =	shalt  }
0x86: {  	_ =	shalt  }
0x87: {  	_ =	shalt  }
.Lfunc_end0:
.L_simem_size_0:
called_computation_lowered:
.L_overlay_start_0:
0x88: {  	s2 =	sld [smem:$0x3FD9]  }
0x89: {  	s3 =	sld [smem:$0x3FFE];
	_ =	sdelay $0x1  }
0x8a: {  	s1 =	srdreg.scid  }
0x8b: {  	s0 =	sand.u32 $0x1, s1  }
0x8c: {  	s17 =	sshll.u32 s0, $0xA;
	s2 =	sadd.s32 s3, s2  }
0x8d: {  	s2 =	sadd.s32 s2, s17  }
0x8e: {  	[smem:$0x3FC6] =	sst s2  }
0x8f: {  	_ = 	snop  }
0x90: {  	s2 =	sld [smem:$0x3FC8]  }
0x91: {  	s18 =	sld [smem:$0x3FD0];
	(tm) =	ssettm $0x1  }
0x92: {  	s4 =	sld [smem:$0x3FFB];
	_ =	sdelay $0x3  }
0x93: {  	_ =	strace s4  }
0x94: {  	s4 =	sld [smem:$0x3FFC];
	_ =	sdelay $0x3  }
0x95: {  	_ =	strace s4  }
0x96: {  	s4 =	sld [smem:$0x3FFD];
	_ =	sdelay $0x3  }
0x97: {  	_ =	strace s4  }
0x98: {  	_ =	strace $0x8FFFFFFF  }
0x99: {  	s19 =	sld [smem:$0x3FDB];
	_ =	sdelay $0x1  }
0x9a: {  	s5 =	simm.s32 $_scs_section_size  }
0x9b: {  	s6 =	simm.s32 $_size__tile_overlayer_lowered;
	s7 =	simm.s32 $_tile_overlayer_lowered  }
0x9c: {  	s22 =	simm.s32 $0x1BFF;
	s21 =	sshll.u32 s7, $0x1;
	s4 =	sadd.s32 s5, s19  }
0x9d: {  	s8 =	simm.s32 $0x0;
	s20 =	sshll.u32 s6, $0x1;
	s6 =	sadd.s32 s21, s4  }
0x9e: {  	[timem:s8], [sflag:s22] =	dma.local [hbm:s6], s20  }
0x9f: {  	_ =	swait.ge [sflag:s22], s20  }
0xa0: {  	s5 =	ssub.s32 $0x0, s20;
	[sflag:s22] =	ssyncset.done $0x0  }
0xa1: {  	[sflag:s22] =	ssyncadd.s32 s5;
	_ =	sdelay $0x1  }
0xa2: {  	s23 =	simm.s32 $0x1B8B  }
0xa3: {  	_ =	swait.ge [sflag:s23], $0x1  }
0xa4: {  	[sflag:s23] =	ssyncset.done $0x0  }
0xa5: {  	s25 =	simm.s32 $0x1B8E;
	s24 =	sld [smem:$0x3FFE];
	[sflag:s23] =	ssyncadd.s32 $0xFFFFFFFF  }
0xa6: {  	s26 =	simm.s32 $execute0_lowered;
	[smem:$0x3FD2] =	sst s25  }
0xa7: {  	s6 =	sshll.u32 s26, $0x1;
	_ =	strace $0x80000046;
	[dreg:$0x1] =	wrdreg $0xFFFFFFFF  }
0xa8: {  	s28 =	simm.s32 $_size_execute0_lowered;
	s4 =	sadd.s32 s4, s6;
	[dreg:$0x0] =	wrdreg $0x0  }
0xa9: {  	s6 =	sshll.u32 s28, $0x1;
	[dreg:$0x2] =	wrdreg s4  }
0xaa: {  	[dreg:$0x3] =	wrdreg s6  }
0xab: {  	[dreg:$0x4] =	wrdreg $0xC0  }
0xac: {  	_ =	task [dreg:s8], $0x5FFFF  }
0xad: {  	[dreg:$0x1] =	wrdreg $0xFFFFFFFF  }
0xae: {  	[dreg:$0x0] =	wrdreg $0x60  }
0xaf: {  	[dreg:$0x2] =	wrdreg s24  }
0xb0: {  	[dreg:$0x3] =	wrdreg s2  }
0xb1: {  	[dreg:$0x4] =	wrdreg s18  }
0xb2: {  	[dreg:$0x5] =	wrdreg $0x9  }
0xb3: {  	_ =	task.clear_ibuf [dreg:s8], $0x6FFFF;
	_ =	strace $0x90000046  }
0xb4: {  	s29 =	simm.s32 $0x9;
	_ =	strace $0x80000048  }
0xb5: {  	_ =	swait.ge [sflag:s29], $0x1  }
0xb6: {  	[sflag:s29] =	ssyncadd.s32 $0xFFFFFFFF  }
0xb7: {  	_ =	strace $0x90000048  }
0xb8: {  	_ =	sfence  }
0xb9: {  	s30 =	sld [smem:$0x0];
	_ =	sdelay $0x2  }
0xba: {  	s31 =	sshll.u32 s1, $0xD;
	s1 =	sshrl.u32 s1, $0x2  }
0xbb: {  	s3 =	sand.u32 $0x4000, s31;
	s1 =	sadd.s32 s1, s30  }
0xbc: {  	s0 =	sor.u32 s3, s0;
	s1 =	sshll.u32 s1, $0x11  }
0xbd: {  	s0 =	sor.u32 s1, s0  }
0xbe: {  	s0 =	sadd.s32 $0x8F2B, s0  }
0xbf: {  	[sflag:s0] =	ssyncadd.remote.s32 $0x1  }
0xc0: {  	_ =	sfence.sel $0xFFFF  }
0xc1: {  	[dreg:$0x0] =	wrdreg $0xFFFFFFFF;
	(pc) =	sbr.abs _section_cstart, $3  }
0xc2: {  	[dreg:$0x1] =	wrdreg $0xFFFFFFFF  }
0xc3: {  	_ =	task.clear_ibuf [dreg:s8], $0x2FFFF;
	_ =	strace $0x9FFFFFFF  }
0xc4: {  	(tm) =	ssettm $0x7FFFFFFF  }
0xc5: {  	_ =	shalt  }
tec
execute0_lowered:
.L_overlay_start_1:
0x0: {  	(tag) =	ssettag $0x1  }
0x1: {  	s1 =	srdreg.scid;
	s0 =	stileid.u32  }
0x2: {  	s7 =	rddreg [dreg:$0x0];
	s21 =	sand.u32 $0x1, s1;
	s29 =	sshll.u32 s0, $0x1  }
0x3: {  	s18 =	rddreg [dreg:$0x1];
	s10 =	sor.u32 s21, s29  }
0x4: {  	s22 =	rddreg [dreg:$0x2];
	s17 =	smul.u32 $0x2710, s10  }
0x5: {  	s2 =	simm.s32 $0x0;
	s1 =	rddreg [dreg:$0x3]  }
0x6: {  	[smem:$0x7FF] =	sst s2;
	s3 =	sshrl.u32 s17, $0x3;
	s14 =	sadd.s32 $0x7D0, s17  }
0x7: {  	_ =	strace $0x80000047;
	s3 =	sadd.s32 s18, s3;
	s4 =	sshrl.u32 s14, $0x3  }
0x8: {  	[tilespmem:s2], [sflag:$0x1] =	stream.linear.gather [hbm4b:s3+s2], $0x7D0, $0x38;
	[tilespmem:$0x109A0] =	vst v63  }
0x9: {  	s5 =	simm.s32 $0x7D0;
	s6 =	simm.s32 $0x1;
	s4 =	sadd.s32 s18, s4  }
0xa: {  	[tilespmem:s5], [sflag:$0x2] =	stream.linear.gather [hbm4b:s4+s2], $0x7D0, $0x38;
	[tilespmem:$0x109A0] =	vst v63  }
0xb: {  	_ =	swait.ge [sflag:s6], $0x7D0  }
0xc: {  	s8 =	simm.s32 $0xFA0;
	[sflag:s6] =	ssyncset.done $0x0  }
0xd: {  	s9 =	simm.s32 $0x3;
	s7 =	sadd.s32 $0x400, s7;
	[sflag:s6] =	ssyncadd.s32 $0xFFFFF830  }
0xe: {  	[tilespmem:s8], [sflag:$0x3] =	stream.indirect.gather [hbm4b:s7+s5], $0x10, s2, s5, $0xb8;
	[tilespmem:$0x109A0] =	vst v63  }
0xf: {  	s10 =	smul.u32 $0x4E20, s10;
	_ =	swait.ge [sflag:s9], $0x7D00  }
0x10: {  	s19 =	sadd.s32 $0xFA0, s17;
	[sflag:s9] =	ssyncset.done $0x0  }
0x11: {  	s10 =	sadd.s32 s22, s10;
	s11 =	sshrl.u32 s19, $0x3;
	[sflag:s9] =	ssyncadd.s32 $0xFFFF8300  }
0x12: {  	[hbm4b:s10+s2] =	stream.linear.scatter [tilespmem:s8], [sflag:$0x4], $0x7D00, $0x38;
	[tilespmem:$0x109A0] =	vst v63  }
0x13: {  	s12 =	simm.s32 $0x2;
	s11 =	sadd.s32 s18, s11  }
0x14: {  	[tilespmem:s2], [sflag:$0x1] =	stream.linear.gather [hbm4b:s11+s2], $0x7D0, $0x38;
	[tilespmem:$0x109A0] =	vst v63  }
0x15: {  	_ =	swait.ge [sflag:s12], $0x7D0  }
0x16: {  	[sflag:s12] =	ssyncset.done $0x0  }
0x17: {  	s13 =	simm.s32 $0x8CA0;
	[sflag:s12] =	ssyncadd.s32 $0xFFFFF830  }
0x18: {  	[tilespmem:s13], [sflag:$0x3] =	stream.indirect.gather [hbm4b:s7+s5], $0x10, s5, s5, $0xb8;
	[tilespmem:$0x109A0] =	vst v63  }
0x19: {  	_ =	swait.ge [sflag:s9], $0x7D00  }
0x1a: {  	s20 =	sadd.s32 $0x1770, s17;
	s14 =	sshll.u32 s14, $0x1;
	[sflag:s9] =	ssyncset.done $0x0  }
0x1b: {  	s15 =	sshrl.u32 s20, $0x3;
	s14 =	sadd.s32 s22, s14;
	[sflag:s9] =	ssyncadd.s32 $0xFFFF8300  }
0x1c: {  	[hbm4b:s14+s2] =	stream.linear.scatter [tilespmem:s13], [sflag:$0x5], $0x7D00, $0x38;
	[tilespmem:$0x109A0] =	vst v63  }
0x1d: {  	s15 =	sadd.s32 s18, s15  }
0x1e: {  	[tilespmem:s5], [sflag:$0x2] =	stream.linear.gather [hbm4b:s15+s2], $0x7D0, $0x38;
	[tilespmem:$0x109A0] =	vst v63  }
0x1f: {  	_ =	swait.ge [sflag:s6], $0x7D0  }
0x20: {  	[sflag:s6] =	ssyncset.done $0x0  }
0x21: {  	s16 =	simm.s32 $0x4;
	[sflag:s6] =	ssyncadd.s32 $0xFFFFF830  }
0x22: {  	_ =	swait.ge [sflag:s16], $0x7D00  }
0x23: {  	[sflag:s16] =	ssyncset.done $0x0  }
0x24: {  	[sflag:s16] =	ssyncadd.s32 $0xFFFF8300  }
0x25: {  	[tilespmem:s8], [sflag:$0x3] =	stream.indirect.gather [hbm4b:s7+s5], $0x10, s2, s5, $0xb8;
	[tilespmem:$0x109A0] =	vst v63  }
0x26: {  	_ =	swait.ge [sflag:s9], $0x7D00  }
0x27: {  	s23 =	sadd.s32 $0x1F40, s17;
	s19 =	sshll.u32 s19, $0x1;
	[sflag:s9] =	ssyncset.done $0x0  }
0x28: {  	s30 =	sshrl.u32 s23, $0x3;
	s17 =	sadd.s32 s22, s19;
	[sflag:s9] =	ssyncadd.s32 $0xFFFF8300  }
0x29: {  	[hbm4b:s17+s2] =	stream.linear.scatter [tilespmem:s8], [sflag:$0x4], $0x7D00, $0x38;
	[tilespmem:$0x109A0] =	vst v63  }
0x2a: {  	s18 =	sadd.s32 s18, s30  }
0x2b: {  	[tilespmem:s2], [sflag:$0x1] =	stream.linear.gather [hbm4b:s18+s2], $0x7D0, $0x38;
	[tilespmem:$0x109A0] =	vst v63  }
0x2c: {  	_ =	swait.ge [sflag:s12], $0x7D0  }
0x2d: {  	[sflag:s12] =	ssyncset.done $0x0  }
0x2e: {  	s19 =	simm.s32 $0x5;
	[sflag:s12] =	ssyncadd.s32 $0xFFFFF830  }
0x2f: {  	_ =	swait.ge [sflag:s19], $0x7D00  }
0x30: {  	[sflag:s19] =	ssyncset.done $0x0  }
0x31: {  	[sflag:s19] =	ssyncadd.s32 $0xFFFF8300  }
0x32: {  	[tilespmem:s13], [sflag:$0x3] =	stream.indirect.gather [hbm4b:s7+s5], $0x10, s5, s5, $0xb8;
	[tilespmem:$0x109A0] =	vst v63  }
0x33: {  	_ =	swait.ge [sflag:s9], $0x7D00  }
0x34: {  	s20 =	sshll.u32 s20, $0x1;
	[sflag:s9] =	ssyncset.done $0x0  }
0x35: {  	s20 =	sadd.s32 s22, s20;
	[sflag:s9] =	ssyncadd.s32 $0xFFFF8300  }
0x36: {  	[hbm4b:s20+s2] =	stream.linear.scatter [tilespmem:s13], [sflag:$0x5], $0x7D00, $0x38;
	[tilespmem:$0x109A0] =	vst v63  }
0x37: {  	_ =	swait.ge [sflag:s6], $0x7D0  }
0x38: {  	[sflag:s6] =	ssyncset.done $0x0  }
0x39: {  	[sflag:s6] =	ssyncadd.s32 $0xFFFFF830  }
0x3a: {  	_ =	swait.ge [sflag:s16], $0x7D00  }
0x3b: {  	s24 =	ssub.s32 $0x2, s21;
	[sflag:s16] =	ssyncset.done $0x0  }
0x3c: {  	s31 =	sshrl.u32 s24, $0x1;
	s23 =	sshll.u32 s23, $0x1;
	[sflag:s16] =	ssyncadd.s32 $0xFFFF8300  }
0x3d: {  	[tilespmem:s8], [sflag:$0x3] =	stream.indirect.gather [hbm4b:s7+s5], $0x10, s2, s5, $0xb8;
	[tilespmem:$0x109A0] =	vst v63  }
0x3e: {  	s21 =	sadd.s32 s22, s23;
	s22 =	ssub.s32 s24, s31;
	_ =	swait.ge [sflag:s9], $0x7D00  }
0x3f: {  	s22 =	smax.u32 s22, $0x1;
	[sflag:s9] =	ssyncset.done $0x0  }
0x40: {  	p0 =	sne.s32 s22, $0x1;
	[sflag:s9] =	ssyncadd.s32 $0xFFFF8300  }
0x41: {  	[hbm4b:s21+s2] =	stream.linear.scatter [tilespmem:s8], [sflag:$0x4], $0x7D00, $0x38;
	[tilespmem:$0x109A0] =	vst v63  }
.Ltmp0:
0x42: {  	_ =	swait.ge [sflag:s19], $0x7D00;
	(pc) =	sbr.rel @!p0 .LBB2_2-.Ltmp0, $4  }
0x43: {  	[sflag:s19] =	ssyncset.done $0x0  }
0x44: {  	[sflag:s19] =	ssyncadd.s32 $0xFFFF8300  }
0x45: {  	_ =	swait.ge [sflag:s16], $0x7D00  }
0x46: {  	s22 =	sadd.s32 $0xFFFFFFFF, s22;
	[sflag:s16] =	ssyncset.done $0x0  }
.LBB2_1:
0x47: {  	p0 =	sne.s32 s22, $0x1;
	s22 =	sadd.s32 $0xFFFFFFFF, s22;
	[sflag:s16] =	ssyncadd.s32 $0xFFFF8300  }
0x48: {  	[tilespmem:s2], [sflag:$0x1] =	stream.linear.gather [hbm4b:s3+s2], $0x7D0, $0x38;
	[tilespmem:$0x109A0] =	vst v63  }
0x49: {  	_ = 	snop  }
0x4a: {  	[tilespmem:s5], [sflag:$0x2] =	stream.linear.gather [hbm4b:s4+s2], $0x7D0, $0x38;
	[tilespmem:$0x109A0] =	vst v63  }
0x4b: {  	_ =	swait.ge [sflag:s6], $0x7D0  }
0x4c: {  	[sflag:s6] =	ssyncset.done $0x0  }
0x4d: {  	[sflag:s6] =	ssyncadd.s32 $0xFFFFF830  }
0x4e: {  	[tilespmem:s8], [sflag:$0x3] =	stream.indirect.gather [hbm4b:s7+s5], $0x10, s2, s5, $0xb8;
	[tilespmem:$0x109A0] =	vst v63  }
0x4f: {  	_ =	swait.ge [sflag:s9], $0x7D00  }
0x50: {  	[sflag:s9] =	ssyncset.done $0x0  }
0x51: {  	[sflag:s9] =	ssyncadd.s32 $0xFFFF8300  }
0x52: {  	[hbm4b:s10+s2] =	stream.linear.scatter [tilespmem:s8], [sflag:$0x4], $0x7D00, $0x38;
	[tilespmem:$0x109A0] =	vst v63  }
0x53: {  	_ = 	snop  }
0x54: {  	[tilespmem:s2], [sflag:$0x1] =	stream.linear.gather [hbm4b:s11+s2], $0x7D0, $0x38;
	[tilespmem:$0x109A0] =	vst v63  }
0x55: {  	_ =	swait.ge [sflag:s12], $0x7D0  }
0x56: {  	[sflag:s12] =	ssyncset.done $0x0  }
0x57: {  	[sflag:s12] =	ssyncadd.s32 $0xFFFFF830  }
0x58: {  	[tilespmem:s13], [sflag:$0x3] =	stream.indirect.gather [hbm4b:s7+s5], $0x10, s5, s5, $0xb8;
	[tilespmem:$0x109A0] =	vst v63  }
0x59: {  	_ =	swait.ge [sflag:s9], $0x7D00  }
0x5a: {  	[sflag:s9] =	ssyncset.done $0x0  }
0x5b: {  	[sflag:s9] =	ssyncadd.s32 $0xFFFF8300  }
0x5c: {  	[hbm4b:s14+s2] =	stream.linear.scatter [tilespmem:s13], [sflag:$0x5], $0x7D00, $0x38;
	[tilespmem:$0x109A0] =	vst v63  }
0x5d: {  	_ = 	snop  }
0x5e: {  	[tilespmem:s5], [sflag:$0x2] =	stream.linear.gather [hbm4b:s15+s2], $0x7D0, $0x38;
	[tilespmem:$0x109A0] =	vst v63  }
0x5f: {  	_ =	swait.ge [sflag:s6], $0x7D0  }
0x60: {  	[sflag:s6] =	ssyncset.done $0x0  }
0x61: {  	[sflag:s6] =	ssyncadd.s32 $0xFFFFF830  }
0x62: {  	_ =	swait.ge [sflag:s16], $0x7D00  }
0x63: {  	[sflag:s16] =	ssyncset.done $0x0  }
0x64: {  	[sflag:s16] =	ssyncadd.s32 $0xFFFF8300  }
0x65: {  	[tilespmem:s8], [sflag:$0x3] =	stream.indirect.gather [hbm4b:s7+s5], $0x10, s2, s5, $0xb8;
	[tilespmem:$0x109A0] =	vst v63  }
0x66: {  	_ =	swait.ge [sflag:s9], $0x7D00  }
0x67: {  	[sflag:s9] =	ssyncset.done $0x0  }
0x68: {  	[sflag:s9] =	ssyncadd.s32 $0xFFFF8300  }
0x69: {  	[hbm4b:s17+s2] =	stream.linear.scatter [tilespmem:s8], [sflag:$0x4], $0x7D00, $0x38;
	[tilespmem:$0x109A0] =	vst v63  }
0x6a: {  	_ = 	snop  }
0x6b: {  	[tilespmem:s2], [sflag:$0x1] =	stream.linear.gather [hbm4b:s18+s2], $0x7D0, $0x38;
	[tilespmem:$0x109A0] =	vst v63  }
0x6c: {  	_ =	swait.ge [sflag:s12], $0x7D0  }
0x6d: {  	[sflag:s12] =	ssyncset.done $0x0  }
0x6e: {  	[sflag:s12] =	ssyncadd.s32 $0xFFFFF830  }
0x6f: {  	_ =	swait.ge [sflag:s19], $0x7D00  }
0x70: {  	[sflag:s19] =	ssyncset.done $0x0  }
0x71: {  	[sflag:s19] =	ssyncadd.s32 $0xFFFF8300  }
0x72: {  	[tilespmem:s13], [sflag:$0x3] =	stream.indirect.gather [hbm4b:s7+s5], $0x10, s5, s5, $0xb8;
	[tilespmem:$0x109A0] =	vst v63  }
0x73: {  	_ =	swait.ge [sflag:s9], $0x7D00  }
0x74: {  	[sflag:s9] =	ssyncset.done $0x0  }
0x75: {  	[sflag:s9] =	ssyncadd.s32 $0xFFFF8300  }
0x76: {  	[hbm4b:s20+s2] =	stream.linear.scatter [tilespmem:s13], [sflag:$0x5], $0x7D00, $0x38;
	[tilespmem:$0x109A0] =	vst v63  }
0x77: {  	_ =	swait.ge [sflag:s6], $0x7D0  }
0x78: {  	[sflag:s6] =	ssyncset.done $0x0  }
0x79: {  	[sflag:s6] =	ssyncadd.s32 $0xFFFFF830  }
0x7a: {  	_ =	swait.ge [sflag:s16], $0x7D00  }
0x7b: {  	[sflag:s16] =	ssyncset.done $0x0  }
0x7c: {  	[sflag:s16] =	ssyncadd.s32 $0xFFFF8300  }
0x7d: {  	[tilespmem:s8], [sflag:$0x3] =	stream.indirect.gather [hbm4b:s7+s5], $0x10, s2, s5, $0xb8;
	[tilespmem:$0x109A0] =	vst v63  }
0x7e: {  	_ =	swait.ge [sflag:s9], $0x7D00  }
0x7f: {  	[sflag:s9] =	ssyncset.done $0x0  }
0x80: {  	[sflag:s9] =	ssyncadd.s32 $0xFFFF8300  }
0x81: {  	[hbm4b:s21+s2] =	stream.linear.scatter [tilespmem:s8], [sflag:$0x4], $0x7D00, $0x38;
	[tilespmem:$0x109A0] =	vst v63  }
.Ltmp1:
0x82: {  	_ =	swait.ge [sflag:s19], $0x7D00;
	(pc) =	sbr.rel @p0 .LBB2_1-.Ltmp1, $4  }
0x83: {  	[sflag:s19] =	ssyncset.done $0x0  }
0x84: {  	[sflag:s19] =	ssyncadd.s32 $0xFFFF8300  }
0x85: {  	_ =	swait.ge [sflag:s16], $0x7D00  }
0x86: {  	[sflag:s16] =	ssyncset.done $0x0  }
.LBB2_2:
0x87: {  	[sflag:s16] =	ssyncadd.s32 $0xFFFF8300  }
0x88: {  	_ =	sfence.sel $0x180000  }
0x89: {  	[bflag:$0x0] =	sbarrier.arrive $0xFFFF  }
0x8a: {  	p0 =	sne.s32 s0, $0x0;
	_ =	strace $0x90000047  }
0x8b: {  	s0 =	sadd.s32 @!p0 $0x100000, s1;
	[bflag:$0x2] =	sbarrier.arrive $0xFFFF  }
0x8c: {  	[sflag:s0] =	ssyncadd.tile.s32 @!p0 $0x1;
	_ =	shalt  }
.Lfunc_end2:
_tile_overlayer_lowered:
.L_overlay_start_2:
0x8d: {  	(tag) =	ssettag $0x2  }
0x8e: {  	s0 =	rddreg [dreg:$0x0];
	s2 =	stileid.u32  }
0x8f: {  	s1 =	rddreg [dreg:$0x1];
	p0 =	sne.s32 s2, $0x0  }
0x90: {  	s3 =	rddreg [dreg:$0x2];
	[bflag:$0x3] =	sbarrier.arrive $0xFFFF;
	s2 =	simm.s32 @!p0 $0x1C06  }
0x91: {  	[timem:s3], [sflag:s2] =	dma.local @!p0 [hbm:s0], s1  }
0x92: {  	s0 =	simm.s32 @!p0 $0x6  }
0x93: {  	_ =	swait.ge @!p0 [sflag:s0], s1  }
0x94: {  	s1 =	ssub.s32 @!p0 $0x0, s1;
	[sflag:s0] =	ssyncset.done @!p0 $0x0  }
0x95: {  	[sflag:s0] =	ssyncadd.s32 @!p0 s1  }
0x96: {  	[bflag:$0x3] =	sbarrier.arrive $0xFFFF  }
0x97: {  	_ =	shalt  }

</sc_bundles>
